<compile_context>
chip_gen: v7x
topology: tpu7x:2x2x1
jax: 0.10.2.dev20260603
libtpu: 0.0.44.dev20260713+nightly
codegen_flags: <defaults>
</compile_context>

<pallas_src>
import jax
import jax.numpy as jnp
from jax.experimental import pallas as pl


def _probe_kernel(inp_ref, img_ref, out_ref):
    L = inp_ref.shape[1]
    NIMG = img_ref.shape[1]
    out_ref[0, 0:L, :] = inp_ref[0]
    out_ref[0, L:L + NIMG, :] = img_ref[0]
    out_ref[0, L + NIMG:, :] = jnp.zeros_like(out_ref[0, L + NIMG:, :])


def kernel(input_ids, attention_mask, token_type_ids, pixel_values, pixel_mask,
           inputs_embeds, image_embeds, image_token_type_idx,
           text_pos_emb, text_tok_type_emb, ln_gamma, ln_beta,
           cls_token, modality_tok_type_emb):
    B, L, H = inputs_embeds.shape
    NIMG = image_embeds.shape[1]
    S = 1 + L + NIMG
    Spad = S + 7

    out = pl.pallas_call(
        _probe_kernel,
        grid=(B,),
        in_specs=[
            pl.BlockSpec((1, L, H), lambda b: (b, 0, 0)),
            pl.BlockSpec((1, NIMG, H), lambda b: (b, 0, 0)),
        ],
        out_specs=pl.BlockSpec((1, Spad, H), lambda b: (b, 0, 0)),
        out_shape=jax.ShapeDtypeStruct((B, Spad, H), jnp.float32),
    )(inputs_embeds, image_embeds)

    masks = jnp.concatenate(
        [jnp.ones((B, 1), jnp.int32), attention_mask, pixel_mask], axis=1)
    return out[:, :S], masks

# --- scband reference (transcript-rebuilt; emitter-appended) ---
"""Pipeline reference for scband-imiterembeddings-19378892440163 (READ-ONLY COPY).

The authoritative reference and input builder live on the scoring server;
editing this copy changes nothing except your own understanding.
"""

import jax, jax.numpy as jnp
import numpy as np

B = 16
L = 512
H = 768
NIMG = 576
VOCAB = 30522
MAX_POS = 512
LN_EPS = 1e-12


def _layer_norm(x, gamma, beta):
    mu = jnp.mean(x, axis=-1, keepdims=True)
    var = jnp.mean((x - mu) ** 2, axis=-1, keepdims=True)
    return gamma * (x - mu) / jnp.sqrt(var + LN_EPS) + beta


def setup_inputs(seed: int = 0):
    key = jax.random.key(seed)
    ks = jax.random.split(key, 10)
    return {
        "input_ids": jax.random.randint(ks[0], (B, L), 0, VOCAB, dtype=jnp.int32),
        "attention_mask": jax.random.randint(ks[1], (B, L), 0, 2, dtype=jnp.int32),
        "token_type_ids": jax.random.randint(ks[2], (B, L), 0, 2, dtype=jnp.int32),
        "pixel_values": jax.random.normal(ks[3], (B, 3, 384, 384), dtype=jnp.float32),
        "pixel_mask": jax.random.randint(ks[4], (B, NIMG), 0, 2, dtype=jnp.int32),
        "inputs_embeds": 0.02 * jax.random.normal(ks[5], (B, L, H), dtype=jnp.float32),
        "image_embeds": 0.02 * jax.random.normal(ks[6], (B, NIMG, H), dtype=jnp.float32),
        "image_token_type_idx": 1,
        "text_pos_emb": 0.02 * jax.random.normal(ks[7], (MAX_POS, H), dtype=jnp.float32),
        "text_tok_type_emb": 0.02 * jax.random.normal(ks[8], (2, H), dtype=jnp.float32),
        "ln_gamma": jnp.ones((H,), dtype=jnp.float32),
        "ln_beta": jnp.zeros((H,), dtype=jnp.float32),
        "cls_token": jnp.zeros((1, 1, H), dtype=jnp.float32),
        "modality_tok_type_emb": 0.02 * jax.random.normal(ks[9], (2, H), dtype=jnp.float32),
    }


def reference(input_ids, attention_mask, token_type_ids, pixel_values, pixel_mask,
              inputs_embeds, image_embeds, image_token_type_idx,
              text_pos_emb, text_tok_type_emb, ln_gamma, ln_beta,
              cls_token, modality_tok_type_emb):
    bsz, seq_len, hid = inputs_embeds.shape
    # TextEmbeddings (BERT-style). inputs_embeds is provided, so the word-embedding
    # lookup branch is skipped; positions + token-type + LayerNorm remain.
    emb = inputs_embeds + text_pos_emb[None, :seq_len, :] + jnp.take(text_tok_type_emb, token_type_ids, axis=0)
    text_embeds = _layer_norm(emb, ln_gamma, ln_beta)
    # image_embeds is provided externally, so visual_embed() is skipped and
    # image_masks = pixel_mask.flatten(1)
    image_masks = pixel_mask.reshape(pixel_mask.shape[0], -1)
    # modality (token-type) embeddings
    text_embeds = text_embeds + jnp.take(modality_tok_type_emb, jnp.zeros_like(attention_mask), axis=0)
    image_embeds = image_embeds + jnp.take(modality_tok_type_emb, jnp.full_like(image_masks, image_token_type_idx), axis=0)
    embeddings = jnp.concatenate([text_embeds, image_embeds], axis=1)
    masks = jnp.concatenate([attention_mask, image_masks], axis=1)
    cls_tokens = jnp.broadcast_to(cls_token, (bsz, 1, hid))
    embeddings = jnp.concatenate([cls_tokens, embeddings], axis=1)
    masks = jnp.concatenate([jnp.ones((masks.shape[0], 1), dtype=masks.dtype), masks], axis=1)
    return (embeddings, masks)

if __name__ == "__main__":
    import jax
    _d = setup_inputs()
    print(jax.jit(kernel)(*tuple(_d.values())))

</pallas_src>

<mosaic_0001>
module attributes {stable_mosaic.version = 14 : i64} {
  func.func @_probe_kernel(%arg0: i32, %arg1: memref<1x512x768xf32, #tpu.memory_space<vmem>>, %arg2: memref<1x576x768xf32, #tpu.memory_space<vmem>>, %arg3: memref<1x1096x768xf32, #tpu.memory_space<vmem>>) attributes {dimension_semantics = [#tpu.dimension_semantics<arbitrary>], iteration_bounds = array<i64: 16>, scalar_prefetch = 0 : i64, scratch_operands = 0 : i64, tpu.core_type = #tpu.core_type<tc>, window_params = [{transform_indices = @transform_0, window_bounds = array<i64: 1, 512, 768>}, {transform_indices = @transform_1, window_bounds = array<i64: 1, 576, 768>}, {transform_indices = @transform_2, window_bounds = array<i64: 1, 1096, 768>}]} {
    %get3A = arith.constant 0 : index
    %get3A_0 = arith.constant 0 : index
    %get3A_1 = arith.constant 0 : index
    %get3A_2 = vector.load %arg1[%get3A, %get3A_0, %get3A_1] : memref<1x512x768xf32, #tpu.memory_space<vmem>>, vector<1x512x768xf32>
    %get3A_3 = vector.shape_cast %get3A_2 : vector<1x512x768xf32> to vector<512x768xf32>
    %swap3A = arith.constant 0 : index
    %swap3A_4 = arith.constant 0 : index
    %swap3A_5 = arith.constant 0 : index
    %swap3A_6 = vector.load %arg3[%swap3A, %swap3A_4, %swap3A_5] : memref<1x1096x768xf32, #tpu.memory_space<vmem>>, vector<1x512x768xf32>
    %swap3A_7 = vector.shape_cast %swap3A_6 : vector<1x512x768xf32> to vector<512x768xf32>
    %swap3A_8 = vector.shape_cast %get3A_3 : vector<512x768xf32> to vector<1x512x768xf32>
    tpu.vector_store %arg3[%swap3A, %swap3A_4, %swap3A_5], %swap3A_8 {strides = array<i32>} : memref<1x1096x768xf32, #tpu.memory_space<vmem>>, vector<1x512x768xf32>,
    %get3A_9 = arith.constant 0 : index
    %get3A_10 = arith.constant 0 : index
    %get3A_11 = arith.constant 0 : index
    %get3A_12 = vector.load %arg2[%get3A_9, %get3A_10, %get3A_11] : memref<1x576x768xf32, #tpu.memory_space<vmem>>, vector<1x576x768xf32>
    %get3A_13 = vector.shape_cast %get3A_12 : vector<1x576x768xf32> to vector<576x768xf32>
    %swap3A_14 = arith.constant 0 : index
    %swap3A_15 = arith.constant 512 : index
    %swap3A_16 = arith.constant 0 : index
    %swap3A_17 = vector.load %arg3[%swap3A_14, %swap3A_15, %swap3A_16] : memref<1x1096x768xf32, #tpu.memory_space<vmem>>, vector<1x576x768xf32>
    %swap3A_18 = vector.shape_cast %swap3A_17 : vector<1x576x768xf32> to vector<576x768xf32>
    %swap3A_19 = vector.shape_cast %get3A_13 : vector<576x768xf32> to vector<1x576x768xf32>
    tpu.vector_store %arg3[%swap3A_14, %swap3A_15, %swap3A_16], %swap3A_19 {strides = array<i32>} : memref<1x1096x768xf32, #tpu.memory_space<vmem>>, vector<1x576x768xf32>,
    %broadcast_in_dim3A = arith.constant 0.000000e+00 : f32
    %broadcast_in_dim3A_20 = vector.broadcast %broadcast_in_dim3A : f32 to vector<8x768xf32>
    %swap3A_21 = arith.constant 0 : index
    %swap3A_22 = arith.constant 1088 : index
    %swap3A_23 = arith.constant 0 : index
    %swap3A_24 = vector.load %arg3[%swap3A_21, %swap3A_22, %swap3A_23] : memref<1x1096x768xf32, #tpu.memory_space<vmem>>, vector<1x8x768xf32>
    %swap3A_25 = vector.shape_cast %swap3A_24 : vector<1x8x768xf32> to vector<8x768xf32>
    %swap3A_26 = vector.shape_cast %broadcast_in_dim3A_20 : vector<8x768xf32> to vector<1x8x768xf32>
    tpu.vector_store %arg3[%swap3A_21, %swap3A_22, %swap3A_23], %swap3A_26 {strides = array<i32>} : memref<1x1096x768xf32, #tpu.memory_space<vmem>>, vector<1x8x768xf32>,
    return
  }
  func.func @transform_0(%arg0: i32) -> (i32, i32, i32) {
    %c0_i32 = arith.constant 0 : i32
    %c0_i32_0 = arith.constant 0 : i32
    %c0_i32_1 = arith.constant 0 : i32
    return %arg0, %c0_i32, %c0_i32_0 : i32, i32, i32
  }
  func.func @transform_1(%arg0: i32) -> (i32, i32, i32) {
    %c0_i32 = arith.constant 0 : i32
    %c0_i32_0 = arith.constant 0 : i32
    %c0_i32_1 = arith.constant 0 : i32
    return %arg0, %c0_i32, %c0_i32_0 : i32, i32, i32
  }
  func.func @transform_2(%arg0: i32) -> (i32, i32, i32) {
    %c0_i32 = arith.constant 0 : i32
    %c0_i32_0 = arith.constant 0 : i32
    %c0_i32_1 = arith.constant 0 : i32
    return %arg0, %c0_i32, %c0_i32_0 : i32, i32, i32
  }
}

</mosaic_0001>

<sc_bundles>
// kernel: sparse-core-data-format-call.cloned.1.call-start
scs
called_computation_lowered:
.L_overlay_start_0:
0x0: {  	s2 =	sld [smem:$0x3FD9]  }
0x1: {  	s3 =	sld [smem:$0x3FFE];
	_ =	sdelay $0x1  }
0x2: {  	s1 =	srdreg.scid  }
0x3: {  	s0 =	sand.u32 $0x1, s1  }
0x4: {  	s15 =	sshll.u32 s0, $0xA;
	s2 =	sadd.s32 s3, s2  }
0x5: {  	s2 =	sadd.s32 s2, s15  }
0x6: {  	[smem:$0x3FC4] =	sst s2  }
0x7: {  	_ = 	snop  }
0x8: {  	s2 =	sld [smem:$0x3FD0];
	_ =	sdelay $0x2  }
0x9: {  	s16 =	simm.s32 $0xA;
	s4 =	simm.s32 $0x10  }
0xa: {  	[smem:s4], [sflag:s16] =	dma.local [hbm:s2], $0x1  }
0xb: {  	_ =	swait.eq [sflag:s16], $0x1  }
0xc: {  	[sflag:s16] =	ssyncset.done $0x0  }
0xd: {  	[sflag:s16] =	ssyncadd.s32 $0xFFFFFFFF  }
0xe: {  	s17 =	sld [smem:$0x10];
	(tm) =	ssettm $0x1  }
0xf: {  	s18 =	sld [smem:$0x3FFB];
	_ =	sdelay $0x3  }
0x10: {  	_ =	strace s18  }
0x11: {  	s3 =	sld [smem:$0x3FFC];
	_ =	sdelay $0x3  }
0x12: {  	_ =	strace s3  }
0x13: {  	s3 =	sld [smem:$0x3FFD];
	_ =	sdelay $0x3  }
0x14: {  	_ =	strace s3  }
0x15: {  	_ =	strace $0x8FFFFFFF  }
0x16: {  	s19 =	sld [smem:$0x3FDB];
	_ =	sdelay $0x1  }
0x17: {  	s20 =	simm.s32 $_scs_section_size  }
0x18: {  	s5 =	simm.s32 $_size__tile_overlayer_lowered;
	s6 =	simm.s32 $_tile_overlayer_lowered  }
0x19: {  	s23 =	simm.s32 $0x1BFF;
	s22 =	sshll.u32 s6, $0x1;
	s3 =	sadd.s32 s20, s19  }
0x1a: {  	s7 =	simm.s32 $0x0;
	s21 =	sshll.u32 s5, $0x1;
	s5 =	sadd.s32 s22, s3  }
0x1b: {  	[timem:s7], [sflag:s23] =	dma.local [hbm:s5], s21  }
0x1c: {  	_ =	swait.ge [sflag:s23], s21  }
0x1d: {  	s4 =	ssub.s32 $0x0, s21;
	[sflag:s23] =	ssyncset.done $0x0  }
0x1e: {  	[sflag:s23] =	ssyncadd.s32 s4;
	_ =	sdelay $0x1  }
0x1f: {  	s24 =	simm.s32 $0x1B8B  }
0x20: {  	_ =	swait.ge [sflag:s24], $0x1  }
0x21: {  	[sflag:s24] =	ssyncset.done $0x0  }
0x22: {  	s26 =	simm.s32 $0x1B8E;
	s25 =	sld [smem:$0x3FFE];
	[sflag:s24] =	ssyncadd.s32 $0xFFFFFFFF  }
0x23: {  	s27 =	simm.s32 $execute0_lowered;
	[smem:$0x3FD2] =	sst s26  }
0x24: {  	s5 =	sshll.u32 s27, $0x1;
	_ =	strace $0x80000046;
	[dreg:$0x1] =	wrdreg $0xFFFFFFFF  }
0x25: {  	s28 =	simm.s32 $_size_execute0_lowered;
	s3 =	sadd.s32 s3, s5;
	[dreg:$0x0] =	wrdreg $0x0  }
0x26: {  	s5 =	sshll.u32 s28, $0x1;
	[dreg:$0x2] =	wrdreg s3  }
0x27: {  	[dreg:$0x3] =	wrdreg s5  }
0x28: {  	[dreg:$0x4] =	wrdreg $0xC0  }
0x29: {  	_ =	task [dreg:s7], $0x5FFFF  }
0x2a: {  	[dreg:$0x1] =	wrdreg $0xFFFFFFFF  }
0x2b: {  	[dreg:$0x0] =	wrdreg $0x60  }
0x2c: {  	[dreg:$0x2] =	wrdreg s25  }
0x2d: {  	[dreg:$0x3] =	wrdreg s17  }
0x2e: {  	[dreg:$0x4] =	wrdreg $0x9  }
0x2f: {  	_ =	task.clear_ibuf [dreg:s7], $0x5FFFF;
	_ =	strace $0x90000046  }
0x30: {  	s29 =	simm.s32 $0x9;
	_ =	strace $0x80000048  }
0x31: {  	_ =	swait.ge [sflag:s29], $0x1  }
0x32: {  	[sflag:s29] =	ssyncadd.s32 $0xFFFFFFFF  }
0x33: {  	_ =	strace $0x90000048  }
0x34: {  	_ =	sfence  }
0x35: {  	s30 =	sld [smem:$0x0];
	_ =	sdelay $0x2  }
0x36: {  	s31 =	sshll.u32 s1, $0xD;
	s1 =	sshrl.u32 s1, $0x2  }
0x37: {  	s3 =	sand.u32 $0x4000, s31;
	s1 =	sadd.s32 s1, s30  }
0x38: {  	s0 =	sor.u32 s3, s0;
	s1 =	sshll.u32 s1, $0x11  }
0x39: {  	s0 =	sor.u32 s1, s0  }
0x3a: {  	s0 =	sadd.s32 $0x8F2B, s0  }
0x3b: {  	[sflag:s0] =	ssyncadd.remote.s32 $0x1  }
0x3c: {  	_ =	sfence.sel $0xFFFF  }
0x3d: {  	[dreg:$0x0] =	wrdreg $0xFFFFFFFF;
	(pc) =	sbr.abs _section_cstart, $3  }
0x3e: {  	[dreg:$0x1] =	wrdreg $0xFFFFFFFF  }
0x3f: {  	_ =	task.clear_ibuf [dreg:s7], $0x2FFFF;
	_ =	strace $0x9FFFFFFF  }
0x40: {  	(tm) =	ssettm $0x7FFFFFFF  }
0x41: {  	_ =	shalt  }
tec
execute0_lowered:
.L_overlay_start_1:
0x0: {  	(tag) =	ssettag $0x1  }
0x1: {  	s2 =	stileid.u32  }
0x2: {  	s0 =	srdreg.scid;
	s7 =	rddreg [dreg:$0x0];
	_ =	strace $0x80000047  }
0x3: {  	s1 =	sshll.u32 s2, $0x3;
	s2 =	sshll.u32 s2, $0x2;
	s0 =	sshll.u32 s0, $0x6  }
0x4: {  	s5 =	simm.s32 $0x1;
	s1 =	sand.u32 $0x8, s1;
	s0 =	sor.u32 s2, s0  }
0x5: {  	s31 =	simm.s32 $0x2;
	s2 =	sand.u32 $0x78, s0;
	s29 =	ssub.s32 $0x10, s1  }
0x6: {  	s18 =	simm.s32 $0x0;
	s3 =	sshrl.u32 s29, $0x3;
	s4 =	ssub.s32 $0x440, s2  }
0x7: {  	s0 =	sshrl.u32 s29, $0x4;
	s3 =	sand.u32 $0x1, s3;
	s4 =	sshrl.u32 s4, $0x7  }
0x8: {  	s9 =	simm.s32 $0x3000;
	s0 =	sadd.s32 s0, s3;
	s30 =	sadd.s32 $0x1, s4  }
0x9: {  	s10 =	simm.s32 $0x0;
	s20 =	simm.s32 $0x0;
	s0 =	smul.u32 s30, s0  }
.Ltmp0:
0xa: {  	s19 =	simm.s32 $0x0;
	s11 =	simm.s32 $0x0;
	(pc) =	sbr.rel .LBB1_1-.Ltmp0, $4  }
0xb: {  	s12 =	simm.s32 $0x0;
	s13 =	simm.s32 $0x0;
	s14 =	simm.s32 $0x0  }
0xc: {  	s17 =	simm.s32 $0x0;
	[sflag:s5] =	ssyncpa.u1 $0x0;
	s6 =	smul.u32 $0x3, s0  }
0xd: {  	s26 =	simm.s32 $0x0;
	s7 =	sadd.s32 $0x800, s7;
	[sflag:s31] =	ssyncpa.u1 $0x0  }
0xe: {  	s16 =	smov.u32 s1;
	s15 =	smov.u32 s2;
	s8 =	sadd.s32 $0x1, s6  }
.LBB1_7:
0xf: {  	p0 =	slt.u32 s17, $0x2  }
0x10: {  	s0 =	smov.u32 s20;
	p1 =	sgt.s32 @!p0 s20, $0x439  }
0x11: {  	s4 =	smov.u32 s19;
	s3 =	sshra.s32 @!p0 s20, $0x1F;
	p1 =	por !p1, p0  }
0x12: {  	s3 =	sand.u32 @!p0 s3, s20;
	s0 =	simm.s32 @p1 $0x439;
	p1 =	sgt.s32 @!p0 s19, $0x8  }
0x13: {  	s20 =	sshra.s32 @!p0 s19, $0x1F;
	p1 =	por !p1, p0;
	s0 =	ssub.s32 @!p0 s0, s3  }
0x14: {  	s3 =	sand.u32 @!p0 s20, s19;
	s4 =	simm.s32 @p1 $0x8;
	s19 =	sadd.s32 @!p0 $0xFFFFFBC7, s0  }
0x15: {  	p1 =	sgt.s32 @!p0 s18, $0x200;
	s3 =	ssub.s32 @!p0 s4, s3;
	p2 =	sgt.s32 @!p0 s19, $0x7  }
0x16: {  	p1 =	por !p1, p0;
	s19 =	smov.u32 s18;
	s4 =	sadd.s32 @!p0 $0xFFFFFFF8, s3  }
0x17: {  	s19 =	simm.s32 @p1 $0x200;
	p1 =	sgt.s32 @!p0 s4, $0x7;
	s4 =	sshra.s32 @!p0 s18, $0x1F  }
0x18: {  	s0 =	ssub.s32 @!p0 $0x441, s0;
	p2 =	por !p2, p0;
	s4 =	sand.u32 @!p0 s4, s18  }
0x19: {  	s3 =	ssub.s32 @!p0 $0x10, s3;
	p1 =	por !p1, p0;
	s4 =	ssub.s32 @!p0 s19, s4  }
0x1a: {  	s0 =	simm.s32 @!p2 $0x0;
	s3 =	simm.s32 @!p1 $0x0;
	s18 =	sadd.s32 @!p0 $0xFFFFFE00, s4  }
0x1b: {  	s21 =	smov.u32 s15;
	s0 =	smul.u32 @!p0 s3, s0;
	p1 =	sgt.s32 @!p0 s18, $0xFF  }
0x1c: {  	s3 =	ssub.s32 @!p0 $0x300, s4;
	s4 =	sadd.s32 $0x100, s14;
	p1 =	por !p1, p0  }
0x1d: {  	s18 =	sadd.s32 $0x80, s15;
	s3 =	simm.s32 @!p1 $0x0;
	p1 =	sgt.s32 s4, $0x2FF  }
0x1e: {  	s22 =	smov.u32 s16;
	s21 =	smov.u32 @p1 s18  }
0x1f: {  	s0 =	smul.u32 @!p0 s3, s0;
	s3 =	sadd.s32 $0x10, s16;
	p2 =	sgt.s32 s21, $0x440  }
0x20: {  	s10 =	sadd.s32 $0x4000, s10;
	s20 =	smov.u32 s12;
	s22 =	smov.u32 @p2 s3  }
0x21: {  	s12 =	smov.u32 s15;
	s4 =	simm.s32 @p1 $0x0;
	p1 =	sgt.s32 s22, $0xF  }
0x22: {  	s19 =	smov.u32 s13;
	s22 =	smov.u32 @p1 s1;
	p1 =	sne.s32 s17, s8  }
.Ltmp1:
0x23: {  	s13 =	smov.u32 s16;
	s18 =	smov.u32 s11;
	(pc) =	sbr.rel @!p1 .LBB1_8-.Ltmp1, $4  }
0x24: {  	s11 =	smov.u32 s14;
	s0 =	sand.u32 @!p0 $0x3FFFFFFF, s0;
	s3 =	simm.s32 @!p0 $0x2  }
0x25: {  	s14 =	smov.u32 s4;
	s21 =	smov.u32 @p2 s2;
	_ =	swait.ge @!p0 [sflag:s3], s0  }
0x26: {  	s0 =	ssub.s32 @!p0 $0x0, s0;
	s15 =	smov.u32 s21;
	[sflag:s3] =	ssyncset.done @!p0 $0x0  }
0x27: {  	s17 =	sadd.s32 $0x1, s17;
	[sflag:s3] =	ssyncadd.s32 @!p0 s0;
	s16 =	smov.u32 s22  }
.LBB1_1:
0x28: {  	p0 =	sge.u32 s17, s6  }
0x29: {  	s0 =	sshrl.u32 @!p0 s15, $0x3  }
0x2a: {  	s3 =	sshll.u32 @!p0 s14, $0x3;
	s0 =	smul.u32 @!p0 $0x1800, s0  }
0x2b: {  	s4 =	sshll.u32 @!p0 s15, $0x7;
	s3 =	sand.u32 @!p0 $0xFFFFFC00, s3  }
0x2c: {  	s0 =	sadd.s32 @!p0 s0, s3;
	s3 =	sand.u32 @!p0 $0x380, s4  }
0x2d: {  	s0 =	sor.u32 @!p0 s3, s0  }
0x2e: {  	s3 =	sand.u32 @!p0 $0x7F, s14;
	s4 =	smulhi.u32 @!p0 $0xAAAAAAAB, s0  }
0x2f: {  	s0 =	sor.u32 @!p0 s3, s0  }
0x30: {  	s3 =	smulhi.u32 @!p0 $0xAAAAAAAB, s0;
	s4 =	sshrl.u32 @!p0 s4, $0x9  }
0x31: {  	s21 =	smulhi.u32 @!p0 $0x3BCBAE, s4;
	_ =	sdelay $0x1  }
0x32: {  	s3 =	sshrl.u32 @!p0 s3, $0x9;
	s21 =	smul.u32 @!p0 $0x448, s21  }
0x33: {  	s31 =	sadd.s32 $0xFFFFFFFF, s17;
	s3 =	smul.u32 @!p0 $0x300, s3  }
0x34: {  	s22 =	sxor.u32 @!p0 $0xFFFFFFFF, s17;
	s4 =	ssub.s32 @!p0 s4, s21;
	s21 =	smul.u32 @!p0 $0x19B00, s16  }
0x35: {  	s22 =	sshll.u32 @!p0 s22, $0xE;
	s0 =	ssub.s32 @!p0 s0, s3;
	s3 =	smul.u32 @!p0 $0x60, s4  }
0x36: {  	s4 =	sand.u32 @!p0 $0x4000, s22;
	s22 =	sand.u32 @!p0 $0x7, s0;
	s21 =	sadd.s32 @!p0 s7, s21  }
0x37: {  	s0 =	sshrl.u32 @!p0 s0, $0x3;
	s3 =	sadd.s32 @!p0 s3, s21;
	s21 =	sshll.u32 @!p0 s22, $0x12  }
0x38: {  	s0 =	sadd.s32 @!p0 s0, s3;
	s3 =	sor.u32 @!p0 $0x800, s21;
	s21 =	simm.s32 @!p0 $0xCD800  }
0x39: {  	[tilespmem:s4], [sflag:$0x1] =	stream.strided.gather @!p0 [hbm4b:s0+s3], $0x4000, s21, s3, $0x38;
	[tilespmem:$0x10000] =	vst v63  }
0x3a: {  	p0 =	sge.u32 s31, s6  }
.Ltmp2:
0x3b: {  	_ = 	snop;
	(pc) =	sbr.rel @p0 .LBB1_7-.Ltmp2, $1  }
0x3c: {  	_ =	sdelay $0x3  }
0x3d: {  	s0 =	sshll.u32 s10, $0x2;
	_ =	swait.ge [sflag:s5], $0x4000;
	s3 =	sshll.u32 s17, $0xE  }
0x3e: {  	p0 =	por $0x0, $0x0;
	s27 =	simm.s32 $0x0;
	s28 =	simm.s32 $0x0  }
0x3f: {  	s0 =	sand.u32 $0x10000, s0;
	[sflag:s5] =	ssyncset.done $0x0;
	s24 =	sand.u32 $0x4000, s3  }
0x40: {  	s0 =	sshrl.u32 s0, $0x2;
	[sflag:s5] =	ssyncadd.s32 $0xFFFFC000;
	s21 =	sor.u32 $0x8000, s24  }
0x41: {  	s22 =	sor.u32 $0x40, s0;
	s23 =	sor.u32 $0x8410, s0;
	s25 =	sadd.s32 $0x8400, s0  }
.LBB1_3:
0x42: {  	v1 =	vld [tilespmem:s22+$0xFFFFFFD0]  }
0x43: {  	v2 =	vld [tilespmem:s22+$0x430]  }
0x44: {  	s0 =	sshll.u32 s28, $0xB;
	v4 =	vld [tilespmem:s22+$0xFFFFFFE0]  }
0x45: {  	v7 =	vld [tilespmem:s22+$0xFFFFFFF0];
	v0 =	vmov s0  }
0x46: {  	v8 =	vld [tilespmem:s22+$0x0]  }
0x47: {  	s4 =	sand.u32 $0x300, s26;
	v9 =	vld [tilespmem:s22+$0x10]  }
0x48: {  	s3 =	sand.u32 $0x80, s26;
	v10 =	vld [tilespmem:s22+$0x20];
	s0 =	sadd.s32 s4, s24  }
0x49: {  	v11 =	vld [tilespmem:s22+$0x30];
	s0 =	sadd.s32 s3, s0;
	s3 =	simm.s32 $0x1;
	[tilespmem:s23+$0x60] =	vst v2  }
0x4a: {  	s4 =	sshll.u32 s27, $0x2;
	s3 =	simm.s32 @!p0 $0x0;
	[tilespmem:s23+$0xFFFFFC00] =	vst v1;
	v3 =	vld.idx.msk [tilespmem:v0+s0+$0x400 ss:$0x1], $0xffff  }
0x4b: {  	v6 =	vld [tilespmem:s22+$0x3D0];
	s3 =	sshll.u32 s3, $0x9;
	[tilespmem:s23+$0xFFFFFC10] =	vst v4;
	s0 =	sand.u32 $0xFFFFFC00, s4  }
0x4c: {  	v5 =	vld [tilespmem:s22+$0x3E0];
	[tilespmem:s23+$0xFFFFFC20] =	vst v7;
	s0 =	sor.u32 s3, s0  }
0x4d: {  	[tilespmem:s23+$0xFFFFFC30] =	vst v8;
	v4 =	vld [tilespmem:s22+$0x400];
	s0 =	sshrl.u32 s0, $0x2  }
0x4e: {  	[tilespmem:s23+$0xFFFFFC40] =	vst v9;
	v1 =	vld [tilespmem:s22+$0x410];
	s29 =	sadd.s32 s0, s25  }
0x4f: {  	[tilespmem:s29+$0x0] =	vst v3;
	v3 =	vld [tilespmem:s22+$0x3F0]  }
0x50: {  	s30 =	sadd.s32 $0x80, s22;
	[tilespmem:s23+$0xFFFFFC50] =	vst v10;
	v2 =	vld [tilespmem:s22+$0x420];
	s0 =	simm.s32 $0x80  }
0x51: {  	s31 =	smov.u32 s23;
	v7 =	vld [tilespmem:s22+$0xFFFFFFC0];
	[tilespmem:s23+$0xFFFFFC60] =	vst v11;
	s3 =	simm.s32 $0x100;
	s4 =	sand.u32 $0x300, s0  }
.LBB1_4:
0x52: {  	p1 =	sne.s32 s3, $0x380;
	v8 =	vld [tilespmem:s30+$0xFFFFFFD0];
	s0 =	sand.u32 $0x80, s0;
	s4 =	sadd.s32 s4, s24;
	[tilespmem:s31+$0x0] =	vst v6  }
0x53: {  	s4 =	sadd.s32 s0, s4;
	v6 =	vld [tilespmem:s30+$0x430];
	[tilespmem:s31+$0x10] =	vst v5;
	s0 =	smov.u32 s3  }
0x54: {  	v5 =	vld.idx.msk [tilespmem:v0+s4+$0x400 ss:$0x1], $0xffff;
	[tilespmem:s31+$0x20] =	vst v3  }
0x55: {  	v3 =	vld [tilespmem:s30+$0xFFFFFFE0];
	[tilespmem:s31+$0x30] =	vst v4  }
0x56: {  	v4 =	vld [tilespmem:s30+$0xFFFFFFF0];
	[tilespmem:s31+$0xFFFFFBF0] =	vst v7  }
0x57: {  	v7 =	vld [tilespmem:s30+$0x0];
	[tilespmem:s31+$0x40] =	vst v1  }
0x58: {  	v1 =	vld [tilespmem:s30+$0x10];
	[tilespmem:s31+$0x50] =	vst v2;
	s31 =	sadd.s32 $0x800, s31  }
0x59: {  	s29 =	sadd.s32 $0x800, s29;
	v2 =	vld [tilespmem:s30+$0x20];
	[tilespmem:s31+$0x60] =	vst v6  }
0x5a: {  	v9 =	vld [tilespmem:s30+$0x30];
	[tilespmem:s29+$0x0] =	vst v5  }
0x5b: {  	[tilespmem:s31+$0xFFFFFC00] =	vst v8;
	v6 =	vld [tilespmem:s30+$0x3D0]  }
0x5c: {  	[tilespmem:s31+$0xFFFFFC10] =	vst v3;
	v5 =	vld [tilespmem:s30+$0x3E0]  }
.Ltmp3:
0x5d: {  	[tilespmem:s31+$0xFFFFFC20] =	vst v4;
	v3 =	vld [tilespmem:s30+$0x3F0];
	(pc) =	sbr.rel @p1 .LBB1_4-.Ltmp3, $4  }
0x5e: {  	[tilespmem:s31+$0xFFFFFC30] =	vst v7;
	v4 =	vld [tilespmem:s30+$0x400]  }
0x5f: {  	[tilespmem:s31+$0xFFFFFC40] =	vst v1;
	v1 =	vld [tilespmem:s30+$0x410]  }
0x60: {  	[tilespmem:s31+$0xFFFFFC50] =	vst v2;
	v2 =	vld [tilespmem:s30+$0x420]  }
0x61: {  	s3 =	sadd.s32 $0x80, s3;
	s4 =	sand.u32 $0x300, s0;
	v7 =	vld [tilespmem:s30+$0xFFFFFFC0];
	[tilespmem:s31+$0xFFFFFC60] =	vst v9;
	s30 =	sadd.s32 $0x80, s30  }
0x62: {  	[tilespmem:s31+$0x0] =	vst v6  }
0x63: {  	[tilespmem:s31+$0x10] =	vst v5  }
0x64: {  	v49 =	vld [tilespmem:s30+$0x430];
	[tilespmem:s31+$0x20] =	vst v3  }
0x65: {  	v50 =	vld [tilespmem:s30+$0xFFFFFFD0];
	[tilespmem:s31+$0x30] =	vst v4  }
0x66: {  	v51 =	vld [tilespmem:s30+$0xFFFFFFE0];
	[tilespmem:s31+$0x40] =	vst v1  }
0x67: {  	v52 =	vld [tilespmem:s30+$0xFFFFFFF0];
	[tilespmem:s31+$0x50] =	vst v2  }
0x68: {  	s3 =	sadd.s32 s4, s24;
	s4 =	sadd.s32 $0x800, s31;
	v53 =	vld [tilespmem:s30+$0x0];
	[tilespmem:s31+$0xFFFFFBF0] =	vst v7  }
0x69: {  	v54 =	vld [tilespmem:s30+$0x10];
	[tilespmem:s4+$0x60] =	vst v49  }
0x6a: {  	v55 =	vld [tilespmem:s30+$0x20];
	[tilespmem:s4+$0xFFFFFC00] =	vst v50  }
0x6b: {  	v56 =	vld [tilespmem:s30+$0x30];
	[tilespmem:s4+$0xFFFFFC10] =	vst v51  }
0x6c: {  	v57 =	vld [tilespmem:s30+$0x3D0];
	[tilespmem:s4+$0xFFFFFC20] =	vst v52  }
0x6d: {  	v58 =	vld [tilespmem:s30+$0x3E0];
	[tilespmem:s4+$0xFFFFFC30] =	vst v53  }
0x6e: {  	v59 =	vld [tilespmem:s30+$0x3F0];
	[tilespmem:s4+$0xFFFFFC40] =	vst v54  }
0x6f: {  	v60 =	vld [tilespmem:s30+$0x400];
	[tilespmem:s4+$0xFFFFFC50] =	vst v55  }
0x70: {  	v61 =	vld [tilespmem:s30+$0xFFFFFFC0];
	[tilespmem:s4+$0xFFFFFC60] =	vst v56  }
0x71: {  	s0 =	sand.u32 $0x80, s0;
	v62 =	vld [tilespmem:s30+$0x410];
	[tilespmem:s4+$0x0] =	vst v57  }
0x72: {  	v63 =	vld [tilespmem:s30+$0x420];
	s28 =	sadd.s32 $0x1, s28;
	s0 =	sadd.s32 s0, s3;
	[tilespmem:s4+$0x10] =	vst v58  }
0x73: {  	p1 =	sne.s32 s28, $0x8;
	v0 =	vld.idx.msk [tilespmem:v0+s0+$0x400 ss:$0x1], $0xffff;
	[tilespmem:s4+$0x20] =	vst v59  }
.Ltmp4:
0x74: {  	[tilespmem:s4+$0x30] =	vst v60;
	(pc) =	sbr.rel @p1 .LBB1_3-.Ltmp4, $4  }
0x75: {  	[tilespmem:s4+$0xFFFFFBF0] =	vst v61  }
0x76: {  	[tilespmem:s4+$0x40] =	vst v62  }
0x77: {  	s22 =	sadd.s32 $0x800, s22;
	s31 =	sadd.s32 $0x800, s29;
	[tilespmem:s4+$0x50] =	vst v63  }
0x78: {  	s27 =	sadd.s32 $0x80, s27;
	p0 =	por !p0, !p0;
	s23 =	sadd.s32 $0x80, s23;
	[tilespmem:s31+$0x0] =	vst v0  }
0x79: {  	s0 =	sshrl.u32 s13, $0x3  }
0x7a: {  	s3 =	sshll.u32 s11, $0x3;
	s4 =	sshll.u32 s13, $0x7;
	s22 =	sand.u32 $0x7F, s11  }
0x7b: {  	p0 =	sgt.s32 s12, $0x439;
	s29 =	sshra.s32 s12, $0x1F;
	s23 =	sshra.s32 s13, $0x1F  }
0x7c: {  	p1 =	sgt.s32 s11, $0x200;
	s25 =	sshra.s32 s11, $0x1F;
	s0 =	smul.u32 $0x1800, s0  }
0x7d: {  	s3 =	sand.u32 $0xFFFFFC00, s3;
	s28 =	sand.u32 $0x380, s4;
	s4 =	sand.u32 s29, s12  }
0x7e: {  	s23 =	sand.u32 s23, s13;
	s25 =	sand.u32 s25, s11;
	s0 =	sadd.s32 s0, s3  }
0x7f: {  	s29 =	rddreg [dreg:$0x1];
	s3 =	smov.u32 s12;
	s0 =	sor.u32 s28, s0  }
0x80: {  	s3 =	simm.s32 @!p0 $0x439;
	p0 =	sgt.s32 s13, $0x8;
	s28 =	smul.u32 $0x600, s12  }
0x81: {  	s22 =	sor.u32 s22, s0;
	s3 =	ssub.s32 s3, s4;
	s4 =	smov.u32 s13  }
0x82: {  	s0 =	smulhi.u32 $0xAAAAAAAB, s0;
	s24 =	sadd.s32 $0xFFFFFBC7, s3;
	s4 =	simm.s32 @!p0 $0x8  }
0x83: {  	s31 =	smulhi.u32 $0xAAAAAAAB, s22;
	s3 =	ssub.s32 $0x441, s3;
	p0 =	sgt.s32 s24, $0x7  }
0x84: {  	s4 =	ssub.s32 s4, s23;
	s23 =	smov.u32 s11;
	s0 =	sshrl.u32 s0, $0x9  }
0x85: {  	s30 =	sadd.s32 $0xFFFFFFF8, s4;
	s23 =	simm.s32 @!p1 $0x200;
	s3 =	simm.s32 @p0 $0x0  }
0x86: {  	s24 =	sshrl.u32 s31, $0x9;
	s4 =	ssub.s32 $0x10, s4;
	s0 =	sand.u32 $0xF, s0  }
0x87: {  	p1 =	sgt.s32 s30, $0x7;
	s23 =	ssub.s32 s23, s25;
	s24 =	smul.u32 $0x300, s24  }
0x88: {  	s0 =	smul.u32 $0x60, s0;
	s4 =	simm.s32 @p1 $0x0;
	s27 =	sadd.s32 $0xFFFFFE00, s23  }
0x89: {  	s3 =	smul.u32 s4, s3;
	p0 =	sgt.s32 s27, $0xFF;
	s4 =	ssub.s32 $0x300, s23  }
.Ltmp5:
0x8a: {  	s22 =	ssub.s32 s22, s24;
	s4 =	simm.s32 @p0 $0x0;
	(pc) =	sbr.rel .LBB1_7-.Ltmp5, $4  }
0x8b: {  	s30 =	sand.u32 $0x7, s22;
	s3 =	smul.u32 s4, s3;
	s4 =	sadd.s32 s29, s28  }
0x8c: {  	s22 =	sshrl.u32 s22, $0x3;
	s31 =	sshll.u32 s30, $0x12;
	s0 =	sadd.s32 s0, s4  }
0x8d: {  	s4 =	sor.u32 $0x800, s31;
	s3 =	sand.u32 $0x3FFFFFFF, s3;
	s0 =	sadd.s32 s22, s0  }
0x8e: {  	[hbm4b:s0+s4] =	stream.strided.scatter [tilespmem:s21], [sflag:$0x2], s3, s9, s4, $0x38;
	[tilespmem:$0x10000] =	vst v63  }
.LBB1_8:
0x8f: {  	_ =	sfence.sel $0x180000  }
0x90: {  	s0 =	simm.s32 $0x1;
	[bflag:$0x0] =	sbarrier.arrive $0xFFFF  }
0x91: {  	s30 =	simm.s32 $0x2;
	[sflag:s0] =	ssyncpa.u1 $0x1  }
0x92: {  	[sflag:s30] =	ssyncpa.u1 $0x1  }
0x93: {  	_ =	strace $0x90000047  }
0x94: {  	s31 =	stileid.u32;
	[bflag:$0x2] =	sbarrier.arrive $0xFFFF  }
0x95: {  	p0 =	sne.s32 s31, $0x0;
	s0 =	rddreg [dreg:$0x2]  }
0x96: {  	s0 =	sadd.s32 @!p0 $0x100000, s0  }
0x97: {  	[sflag:s0] =	ssyncadd.tile.s32 @!p0 $0x1;
	_ =	shalt  }
.Lfunc_end1:
_tile_overlayer_lowered:
.L_overlay_start_2:
0x98: {  	(tag) =	ssettag $0x2  }
0x99: {  	s0 =	rddreg [dreg:$0x0];
	s2 =	stileid.u32  }
0x9a: {  	s1 =	rddreg [dreg:$0x1];
	p0 =	sne.s32 s2, $0x0  }
0x9b: {  	s3 =	rddreg [dreg:$0x2];
	[bflag:$0x3] =	sbarrier.arrive $0xFFFF;
	s2 =	simm.s32 @!p0 $0x1C01  }
0x9c: {  	[timem:s3], [sflag:s2] =	dma.local @!p0 [hbm:s0], s1  }
0x9d: {  	s0 =	simm.s32 @!p0 $0x1  }
0x9e: {  	_ =	swait.ge @!p0 [sflag:s0], s1  }
0x9f: {  	s1 =	ssub.s32 @!p0 $0x0, s1;
	[sflag:s0] =	ssyncset.done @!p0 $0x0  }
0xa0: {  	[sflag:s0] =	ssyncadd.s32 @!p0 s1  }
0xa1: {  	[bflag:$0x3] =	sbarrier.arrive $0xFFFF  }
0xa2: {  	_ =	shalt  }

</sc_bundles>
